<compile_context>
chip_gen: v7x
topology: tpu7x:2x2x1
jax: 0.10.2.dev20260603
libtpu: 0.0.44.dev20260713+nightly
codegen_flags: <defaults>
</compile_context>

<pallas_src>
import functools

import jax
import jax.numpy as jnp
from jax import lax
from jax.experimental import pallas as pl
from jax.experimental.pallas import tpu as pltpu
from jax.experimental.pallas import tpu_sc as plsc

N = 10000
E = 320000
L = 16
NC = 2
NS = 16
NW = NC * NS
E_PER_W = E // NW
BLOCK = 2000
G = N // BLOCK


T128 = 128
TILES = E // T128
BASE_TILES = TILES // NW
EXTRA = TILES - BASE_TILES * NW
MAX_EDGES_W = (BASE_TILES + 1) * T128


def _presence_body(src_hbm, out_hbm, idx_v, mark_v):
    wid = lax.axis_index("s") * NC + lax.axis_index("c")
    extra_before = jnp.maximum(wid - (NW - EXTRA), 0)
    t0 = wid * BASE_TILES + extra_before

    zeros = jnp.zeros((L,), jnp.float32)
    ones = jnp.ones((L,), jnp.float32)

    @plsc.parallel_loop(0, N, step=L, unroll=8)
    def _zero(i):
        mark_v[pl.ds(i, L)] = zeros

    def _mark_edges(nt):
        ne = nt * T128
        pltpu.sync_copy(
            src_hbm.at[:, pl.ds(pl.multiple_of(t0 * T128, T128), ne)],
            idx_v.at[:, pl.ds(0, ne)],
        )

        @plsc.parallel_loop(0, ne, step=L, unroll=8)
        def _scatter(i):
            idx = idx_v[0, pl.ds(i, L)]
            plsc.store_scatter(mark_v, [idx], ones)

    @pl.when(wid >= NW - EXTRA)
    def _():
        _mark_edges(BASE_TILES + 1)

    @pl.when(wid < NW - EXTRA)
    def _():
        _mark_edges(BASE_TILES)

    for g in range(G):
        pltpu.sync_copy(
            mark_v.at[pl.ds(g * BLOCK, BLOCK)],
            out_hbm.at[pl.ds(g * NW * BLOCK + wid * BLOCK, BLOCK)],
        )


_presence_kernel = functools.partial(
    pl.kernel,
    out_type=jax.ShapeDtypeStruct((G * NW * BLOCK,), jnp.float32),
    mesh=plsc.VectorSubcoreMesh(core_axis_name="c", subcore_axis_name="s"),
    scratch_types=[
        pltpu.VMEM((2, MAX_EDGES_W), jnp.int32),
        pltpu.VMEM((N,), jnp.float32),
    ],
    compiler_params=pltpu.CompilerParams(needs_layout_passes=False),
)(_presence_body)


def _dense_body(x_ref, pres_ref, w1_ref, b1_ref, w2_ref, b2_ref, out_ref):
    deg = jnp.sum(pres_ref[0], axis=0)
    m = (deg > 0.0).astype(jnp.float32)[:, None]
    z1 = (
        jnp.dot(x_ref[...], w1_ref[...], preferred_element_type=jnp.float32)
        + b1_ref[...]
    )
    h1 = jnp.maximum(z1, 0.0)
    z2 = (
        jnp.dot(h1, w2_ref[...], preferred_element_type=jnp.float32)
        + b2_ref[...]
    ) * m
    zmax = jnp.max(z2, axis=1, keepdims=True)
    zs = z2 - zmax
    lse = jnp.log(jnp.sum(jnp.exp(zs), axis=1, keepdims=True))
    out_ref[...] = zs - lse


def _dense_call(x, pres, W1, b1, W2, b2, block):
    grid = (N // block,)
    return pl.pallas_call(
        _dense_body,
        grid=grid,
        in_specs=[
            pl.BlockSpec((block, 128), lambda j: (j, 0)),
            pl.BlockSpec((1, NW, block), lambda j: (j, 0, 0)),
            pl.BlockSpec((128, 128), lambda j: (0, 0)),
            pl.BlockSpec((1, 128), lambda j: (0, 0)),
            pl.BlockSpec((128, 64), lambda j: (0, 0)),
            pl.BlockSpec((1, 64), lambda j: (0, 0)),
        ],
        out_specs=pl.BlockSpec((block, 64), lambda j: (j, 0)),
        out_shape=jax.ShapeDtypeStruct((N, 64), jnp.float32),
    )(x, pres, W1, b1.reshape(1, 128), W2, b2.reshape(1, 64))


def kernel(x, edge_index, W1, b1, W2, b2):
    source = edge_index.astype(jnp.int32)
    pres = _presence_kernel(source).reshape(G, NW, BLOCK)
    return _dense_call(x, pres, W1, b1, W2, b2, block=BLOCK)

# --- scband reference (transcript-rebuilt; emitter-appended) ---
"""Pipeline reference for scband-graph-sage-72713796321665 (READ-ONLY COPY).

The authoritative reference and input builder live on the scoring server;
editing this copy changes nothing except your own understanding.
"""

import jax, jax.numpy as jnp
import numpy as np

N = 10000
E = 320000
NFEAT = 128
NHID = 128
NCLASS = 64


def setup_inputs(seed: int = 0) -> dict:
    key = jax.random.key(seed)
    k1, k2, k3, k4, k5, k6 = jax.random.split(key, 6)
    x = jax.random.normal(k1, (N, NFEAT), dtype=jnp.float32)
    edge_index = jax.random.randint(k2, (2, E), 0, N)
    # learned parameters (xavier-ish init)
    W1 = jax.random.normal(k3, (NFEAT, NHID), dtype=jnp.float32) * np.sqrt(2.0 / (NFEAT + NHID))
    b1 = jnp.zeros((NHID,), dtype=jnp.float32)
    W2 = jax.random.normal(k4, (NHID, NCLASS), dtype=jnp.float32) * np.sqrt(2.0 / (NHID + NCLASS))
    b2 = jnp.zeros((NCLASS,), dtype=jnp.float32)
    return {"x": x, "edge_index": edge_index, "W1": W1, "b1": b1, "W2": W2, "b2": b2}


def reference(x, edge_index, W1, b1, W2, b2):
    # eval mode: dropout is identity
    source = edge_index[0]
    # get_degree(edge_list): per-node degree from source indices; clamp to 1 to avoid 0/0
    degree = jnp.maximum(jnp.bincount(source, length=N), 1).astype(jnp.float32)[:, None]

    def sage_layer(h, W, b):
        h = h @ W + b                      # nn.Linear
        # MeanAggregator: h_out.index_add_(0, source, h[source]) ; h_out /= degree
        gathered = h[source]               # gather over edges
        agg = jnp.zeros_like(h).at[source].add(gathered)  # scatter-add
        return agg / degree

    h = jax.nn.relu(sage_layer(x, W1, b1))
    h = sage_layer(h, W2, b2)
    return jax.nn.log_softmax(h, axis=1)

if __name__ == "__main__":
    import jax
    _d = setup_inputs()
    print(jax.jit(kernel)(*tuple(_d.values())))

</pallas_src>

<mosaic_0001>
#map = affine_map<(d0, d1) -> (0, 0)>
#map1 = affine_map<(d0, d1) -> (0)>
module attributes {stable_mosaic.version = 14 : i64} {
  func.func @_presence_body(%arg0: i32, %arg1: i32, %arg2: memref<2x320000xi32, #tpu.memory_space<hbm>>, %arg3: memref<320000xf32, #tpu.memory_space<hbm>>, %arg4: memref<2x10112xi32, #tpu.memory_space<vmem>>, %arg5: memref<10000xf32, #tpu.memory_space<vmem>>) attributes {dimension_semantics = [#tpu.dimension_semantics<core_parallel>, #tpu.dimension_semantics<subcore_parallel>], iteration_bounds = array<i64: 2, 16>, scalar_prefetch = 0 : i64, scratch_operands = 2 : i64, tpu.core_type = #tpu.core_type<sc_vector_subcore>, window_params = [{transform_indices = #map}, {transform_indices = #map1}]} {
    %mul3A = arith.constant 2 : i32
    %mul3A_0 = arith.muli %arg1, %mul3A : i32
    %add3A = arith.addi %mul3A_0, %arg0 : i32
    %sub3A = arith.constant 28 : i32
    %sub3A_1 = arith.subi %add3A, %sub3A : i32
    %max3A = arith.constant 0 : i32
    %max3A_2 = arith.maxsi %sub3A_1, %max3A : i32
    %mul3A_3 = arith.constant 78 : i32
    %mul3A_4 = arith.muli %add3A, %mul3A_3 : i32
    %add3A_5 = arith.addi %mul3A_4, %max3A_2 : i32
    %broadcast_in_dim3A = arith.constant 0.000000e+00 : f32
    %broadcast_in_dim3A_6 = vector.broadcast %broadcast_in_dim3A : f32 to vector<16xf32>
    %broadcast_in_dim3A_7 = arith.constant 1.000000e+00 : f32
    %broadcast_in_dim3A_8 = vector.broadcast %broadcast_in_dim3A_7 : f32 to vector<16xf32>
    %parallel_loop3A = arith.constant 0 : i32
    %parallel_loop3A_9 = arith.constant 10000 : i32
    %parallel_loop3A_10 = arith.constant 16 : i32
    scf.for %parallel_loop3A_37 = %parallel_loop3A to %parallel_loop3A_9 step %parallel_loop3A_10  : i32 {
      %parallel_loop3A_38 = arith.index_cast %parallel_loop3A_37 : i32 to index
      %parallel_loop3A_39 = tpu.vector_load %arg5[%parallel_loop3A_38] {strides = array<i32>} : memref<10000xf32, #tpu.memory_space<vmem>>, vector<16xf32>,
      tpu.vector_store %arg5[%parallel_loop3A_38], %broadcast_in_dim3A_6 {strides = array<i32>} : memref<10000xf32, #tpu.memory_space<vmem>>, vector<16xf32>,
    } {sc.loop_unroll_factor = 8 : i64, sc.parallel_access}
    %ge3A = arith.constant 28 : i32
    %ge3A_11 = arith.cmpi sge, %add3A, %ge3A : i32
    %convert_element_type3A = arith.extui %ge3A_11 : i1 to i32
    %cond3A = arith.constant 0 : i32
    %cond3A_12 = arith.cmpi ne, %convert_element_type3A, %cond3A : i32
    scf.if %cond3A_12 {
      %mul3A_37 = arith.constant 128 : i32
      %mul3A_38 = arith.muli %add3A_5, %mul3A_37 : i32
      %multiple_of3A = tpu.assume_multiple %mul3A_38, 128 : i32
      "tpu.region"() ({
        %run_scoped3A = tpu.sem_alloc : memref<!tpu.dma_semaphore, #tpu.memory_space<semaphore_mem>>
        %dma_start3A = arith.constant 0 : i32
        %dma_start3A_42 = arith.constant 0 : i32
        %dma_start3A_43 = tpu.memref_slice %arg4[%dma_start3A, %dma_start3A_42] : memref<2x10112xi32, #tpu.memory_space<vmem>> -> memref<2x10112xi32, #tpu.memory_space<vmem>>
        %dma_start3A_44 = arith.constant 0 : i32
        %dma_start3A_45 = tpu.memref_slice %arg2[%dma_start3A_44, %multiple_of3A] : memref<2x320000xi32, #tpu.memory_space<hbm>> -> memref<2x10112xi32, #tpu.memory_space<hbm>>
        %dma_start3A_46 = arith.constant 0 : i32
        %dma_start3A_47 = arith.constant 0 : i32
        %dma_start3A_48 = tpu.memref_slice %arg4[%dma_start3A_46, %dma_start3A_47] : memref<2x10112xi32, #tpu.memory_space<vmem>> -> memref<2x10112xi32, #tpu.memory_space<vmem>>
        %dma_start3A_49 = arith.constant 0 : i32
        %dma_start3A_50 = tpu.memref_slice %arg2[%dma_start3A_49, %multiple_of3A] : memref<2x320000xi32, #tpu.memory_space<hbm>> -> memref<2x10112xi32, #tpu.memory_space<hbm>>
        tpu.enqueue_dma source(%dma_start3A_50 : memref<2x10112xi32, #tpu.memory_space<hbm>>) target(%dma_start3A_48 : memref<2x10112xi32, #tpu.memory_space<vmem>>) target_semaphore(%run_scoped3A : memref<!tpu.dma_semaphore, #tpu.memory_space<semaphore_mem>>)
        %dma_wait3A = arith.constant 0 : i32
        %dma_wait3A_51 = arith.constant 0 : i32
        %dma_wait3A_52 = tpu.memref_slice %arg4[%dma_wait3A, %dma_wait3A_51] : memref<2x10112xi32, #tpu.memory_space<vmem>> -> memref<2x10112xi32, #tpu.memory_space<vmem>>
        %dma_wait3A_53 = arith.constant 0 : i32
        %dma_wait3A_54 = tpu.memref_slice %arg2[%dma_wait3A_53, %multiple_of3A] : memref<2x320000xi32, #tpu.memory_space<hbm>> -> memref<2x10112xi32, #tpu.memory_space<hbm>>
        %dma_wait3A_55 = arith.constant 0 : i32
        %dma_wait3A_56 = arith.constant 0 : i32
        %dma_wait3A_57 = tpu.memref_slice %arg4[%dma_wait3A_55, %dma_wait3A_56] : memref<2x10112xi32, #tpu.memory_space<vmem>> -> memref<2x10112xi32, #tpu.memory_space<vmem>>
        %dma_wait3A_58 = arith.constant 0 : i32
        %dma_wait3A_59 = tpu.memref_slice %arg2[%dma_wait3A_58, %multiple_of3A] : memref<2x320000xi32, #tpu.memory_space<hbm>> -> memref<2x10112xi32, #tpu.memory_space<hbm>>
        tpu.wait_dma2 semaphore(%run_scoped3A : memref<!tpu.dma_semaphore, #tpu.memory_space<semaphore_mem>>) src(%dma_wait3A_59 : memref<2x10112xi32, #tpu.memory_space<hbm>>) dst(%dma_wait3A_57 : memref<2x10112xi32, #tpu.memory_space<vmem>>)
        tpu.yield
      }) : () -> ()
      %parallel_loop3A_39 = arith.constant 0 : i32
      %parallel_loop3A_40 = arith.constant 10112 : i32
      %parallel_loop3A_41 = arith.constant 16 : i32
      scf.for %parallel_loop3A_42 = %parallel_loop3A_39 to %parallel_loop3A_40 step %parallel_loop3A_41  : i32 {
        %parallel_loop3A_43 = arith.constant 0 : i32
        %parallel_loop3A_44 = arith.index_cast %parallel_loop3A_43 : i32 to index
        %parallel_loop3A_45 = arith.index_cast %parallel_loop3A_42 : i32 to index
        %parallel_loop3A_46 = tpu.vector_load %arg4[%parallel_loop3A_44, %parallel_loop3A_45] {strides = array<i32>} : memref<2x10112xi32, #tpu.memory_space<vmem>>, vector<16xi32>,
        tpu.vector_store_idx %arg5[%parallel_loop3A_46], %broadcast_in_dim3A_8 : memref<10000xf32, #tpu.memory_space<vmem>>[vector<16xi32>], vector<16xf32>,
      } {sc.loop_unroll_factor = 8 : i64, sc.parallel_access}
    } else {
    }
    %lt3A = arith.constant 28 : i32
    %lt3A_13 = arith.cmpi slt, %add3A, %lt3A : i32
    %convert_element_type3A_14 = arith.extui %lt3A_13 : i1 to i32
    %cond3A_15 = arith.constant 0 : i32
    %cond3A_16 = arith.cmpi ne, %convert_element_type3A_14, %cond3A_15 : i32
    scf.if %cond3A_16 {
      %mul3A_37 = arith.constant 128 : i32
      %mul3A_38 = arith.muli %add3A_5, %mul3A_37 : i32
      %multiple_of3A = tpu.assume_multiple %mul3A_38, 128 : i32
      "tpu.region"() ({
        %run_scoped3A = tpu.sem_alloc : memref<!tpu.dma_semaphore, #tpu.memory_space<semaphore_mem>>
        %dma_start3A = arith.constant 0 : i32
        %dma_start3A_42 = arith.constant 0 : i32
        %dma_start3A_43 = tpu.memref_slice %arg4[%dma_start3A, %dma_start3A_42] : memref<2x10112xi32, #tpu.memory_space<vmem>> -> memref<2x9984xi32, #tpu.memory_space<vmem>>
        %dma_start3A_44 = arith.constant 0 : i32
        %dma_start3A_45 = tpu.memref_slice %arg2[%dma_start3A_44, %multiple_of3A] : memref<2x320000xi32, #tpu.memory_space<hbm>> -> memref<2x9984xi32, #tpu.memory_space<hbm>>
        %dma_start3A_46 = arith.constant 0 : i32
        %dma_start3A_47 = arith.constant 0 : i32
        %dma_start3A_48 = tpu.memref_slice %arg4[%dma_start3A_46, %dma_start3A_47] : memref<2x10112xi32, #tpu.memory_space<vmem>> -> memref<2x9984xi32, #tpu.memory_space<vmem>>
        %dma_start3A_49 = arith.constant 0 : i32
        %dma_start3A_50 = tpu.memref_slice %arg2[%dma_start3A_49, %multiple_of3A] : memref<2x320000xi32, #tpu.memory_space<hbm>> -> memref<2x9984xi32, #tpu.memory_space<hbm>>
        tpu.enqueue_dma source(%dma_start3A_50 : memref<2x9984xi32, #tpu.memory_space<hbm>>) target(%dma_start3A_48 : memref<2x9984xi32, #tpu.memory_space<vmem>>) target_semaphore(%run_scoped3A : memref<!tpu.dma_semaphore, #tpu.memory_space<semaphore_mem>>)
        %dma_wait3A = arith.constant 0 : i32
        %dma_wait3A_51 = arith.constant 0 : i32
        %dma_wait3A_52 = tpu.memref_slice %arg4[%dma_wait3A, %dma_wait3A_51] : memref<2x10112xi32, #tpu.memory_space<vmem>> -> memref<2x9984xi32, #tpu.memory_space<vmem>>
        %dma_wait3A_53 = arith.constant 0 : i32
        %dma_wait3A_54 = tpu.memref_slice %arg2[%dma_wait3A_53, %multiple_of3A] : memref<2x320000xi32, #tpu.memory_space<hbm>> -> memref<2x9984xi32, #tpu.memory_space<hbm>>
        %dma_wait3A_55 = arith.constant 0 : i32
        %dma_wait3A_56 = arith.constant 0 : i32
        %dma_wait3A_57 = tpu.memref_slice %arg4[%dma_wait3A_55, %dma_wait3A_56] : memref<2x10112xi32, #tpu.memory_space<vmem>> -> memref<2x9984xi32, #tpu.memory_space<vmem>>
        %dma_wait3A_58 = arith.constant 0 : i32
        %dma_wait3A_59 = tpu.memref_slice %arg2[%dma_wait3A_58, %multiple_of3A] : memref<2x320000xi32, #tpu.memory_space<hbm>> -> memref<2x9984xi32, #tpu.memory_space<hbm>>
        tpu.wait_dma2 semaphore(%run_scoped3A : memref<!tpu.dma_semaphore, #tpu.memory_space<semaphore_mem>>) src(%dma_wait3A_59 : memref<2x9984xi32, #tpu.memory_space<hbm>>) dst(%dma_wait3A_57 : memref<2x9984xi32, #tpu.memory_space<vmem>>)
        tpu.yield
      }) : () -> ()
      %parallel_loop3A_39 = arith.constant 0 : i32
      %parallel_loop3A_40 = arith.constant 9984 : i32
      %parallel_loop3A_41 = arith.constant 16 : i32
      scf.for %parallel_loop3A_42 = %parallel_loop3A_39 to %parallel_loop3A_40 step %parallel_loop3A_41  : i32 {
        %parallel_loop3A_43 = arith.constant 0 : i32
        %parallel_loop3A_44 = arith.index_cast %parallel_loop3A_43 : i32 to index
        %parallel_loop3A_45 = arith.index_cast %parallel_loop3A_42 : i32 to index
        %parallel_loop3A_46 = tpu.vector_load %arg4[%parallel_loop3A_44, %parallel_loop3A_45] {strides = array<i32>} : memref<2x10112xi32, #tpu.memory_space<vmem>>, vector<16xi32>,
        tpu.vector_store_idx %arg5[%parallel_loop3A_46], %broadcast_in_dim3A_8 : memref<10000xf32, #tpu.memory_space<vmem>>[vector<16xi32>], vector<16xf32>,
      } {sc.loop_unroll_factor = 8 : i64, sc.parallel_access}
    } else {
    }
    %mul3A_17 = arith.constant 2000 : i32
    %mul3A_18 = arith.muli %add3A, %mul3A_17 : i32
    %add3A_19 = arith.constant 0 : i32
    %add3A_20 = arith.addi %add3A_19, %mul3A_18 : i32
    "tpu.region"() ({
      %run_scoped3A = tpu.sem_alloc : memref<!tpu.dma_semaphore, #tpu.memory_space<semaphore_mem>>
      %dma_start3A = arith.constant 0 : i32
      %dma_start3A_37 = tpu.memref_slice %arg5[%dma_start3A] : memref<10000xf32, #tpu.memory_space<vmem>> -> memref<2000xf32, #tpu.memory_space<vmem>>
      %dma_start3A_38 = tpu.memref_slice %arg3[%add3A_20] : memref<320000xf32, #tpu.memory_space<hbm>> -> memref<2000xf32, #tpu.memory_space<hbm>>
      %dma_start3A_39 = tpu.memref_slice %arg3[%add3A_20] : memref<320000xf32, #tpu.memory_space<hbm>> -> memref<2000xf32, #tpu.memory_space<hbm>>
      %dma_start3A_40 = arith.constant 0 : i32
      %dma_start3A_41 = tpu.memref_slice %arg5[%dma_start3A_40] : memref<10000xf32, #tpu.memory_space<vmem>> -> memref<2000xf32, #tpu.memory_space<vmem>>
      tpu.enqueue_dma source(%dma_start3A_41 : memref<2000xf32, #tpu.memory_space<vmem>>) target(%dma_start3A_39 : memref<2000xf32, #tpu.memory_space<hbm>>) target_semaphore(%run_scoped3A : memref<!tpu.dma_semaphore, #tpu.memory_space<semaphore_mem>>)
      %dma_wait3A = arith.constant 0 : i32
      %dma_wait3A_42 = tpu.memref_slice %arg5[%dma_wait3A] : memref<10000xf32, #tpu.memory_space<vmem>> -> memref<2000xf32, #tpu.memory_space<vmem>>
      %dma_wait3A_43 = tpu.memref_slice %arg3[%add3A_20] : memref<320000xf32, #tpu.memory_space<hbm>> -> memref<2000xf32, #tpu.memory_space<hbm>>
      %dma_wait3A_44 = tpu.memref_slice %arg3[%add3A_20] : memref<320000xf32, #tpu.memory_space<hbm>> -> memref<2000xf32, #tpu.memory_space<hbm>>
      %dma_wait3A_45 = arith.constant 0 : i32
      %dma_wait3A_46 = tpu.memref_slice %arg5[%dma_wait3A_45] : memref<10000xf32, #tpu.memory_space<vmem>> -> memref<2000xf32, #tpu.memory_space<vmem>>
      tpu.wait_dma2 semaphore(%run_scoped3A : memref<!tpu.dma_semaphore, #tpu.memory_space<semaphore_mem>>) src(%dma_wait3A_46 : memref<2000xf32, #tpu.memory_space<vmem>>) dst(%dma_wait3A_44 : memref<2000xf32, #tpu.memory_space<hbm>>)
      tpu.yield
    }) : () -> ()
    %mul3A_21 = arith.constant 2000 : i32
    %mul3A_22 = arith.muli %add3A, %mul3A_21 : i32
    %add3A_23 = arith.constant 64000 : i32
    %add3A_24 = arith.addi %add3A_23, %mul3A_22 : i32
    "tpu.region"() ({
      %run_scoped3A = tpu.sem_alloc : memref<!tpu.dma_semaphore, #tpu.memory_space<semaphore_mem>>
      %dma_start3A = arith.constant 2000 : i32
      %dma_start3A_37 = tpu.memref_slice %arg5[%dma_start3A] : memref<10000xf32, #tpu.memory_space<vmem>> -> memref<2000xf32, #tpu.memory_space<vmem>>
      %dma_start3A_38 = tpu.memref_slice %arg3[%add3A_24] : memref<320000xf32, #tpu.memory_space<hbm>> -> memref<2000xf32, #tpu.memory_space<hbm>>
      %dma_start3A_39 = tpu.memref_slice %arg3[%add3A_24] : memref<320000xf32, #tpu.memory_space<hbm>> -> memref<2000xf32, #tpu.memory_space<hbm>>
      %dma_start3A_40 = arith.constant 2000 : i32
      %dma_start3A_41 = tpu.memref_slice %arg5[%dma_start3A_40] : memref<10000xf32, #tpu.memory_space<vmem>> -> memref<2000xf32, #tpu.memory_space<vmem>>
      tpu.enqueue_dma source(%dma_start3A_41 : memref<2000xf32, #tpu.memory_space<vmem>>) target(%dma_start3A_39 : memref<2000xf32, #tpu.memory_space<hbm>>) target_semaphore(%run_scoped3A : memref<!tpu.dma_semaphore, #tpu.memory_space<semaphore_mem>>)
      %dma_wait3A = arith.constant 2000 : i32
      %dma_wait3A_42 = tpu.memref_slice %arg5[%dma_wait3A] : memref<10000xf32, #tpu.memory_space<vmem>> -> memref<2000xf32, #tpu.memory_space<vmem>>
      %dma_wait3A_43 = tpu.memref_slice %arg3[%add3A_24] : memref<320000xf32, #tpu.memory_space<hbm>> -> memref<2000xf32, #tpu.memory_space<hbm>>
      %dma_wait3A_44 = tpu.memref_slice %arg3[%add3A_24] : memref<320000xf32, #tpu.memory_space<hbm>> -> memref<2000xf32, #tpu.memory_space<hbm>>
      %dma_wait3A_45 = arith.constant 2000 : i32
      %dma_wait3A_46 = tpu.memref_slice %arg5[%dma_wait3A_45] : memref<10000xf32, #tpu.memory_space<vmem>> -> memref<2000xf32, #tpu.memory_space<vmem>>
      tpu.wait_dma2 semaphore(%run_scoped3A : memref<!tpu.dma_semaphore, #tpu.memory_space<semaphore_mem>>) src(%dma_wait3A_46 : memref<2000xf32, #tpu.memory_space<vmem>>) dst(%dma_wait3A_44 : memref<2000xf32, #tpu.memory_space<hbm>>)
      tpu.yield
    }) : () -> ()
    %mul3A_25 = arith.constant 2000 : i32
    %mul3A_26 = arith.muli %add3A, %mul3A_25 : i32
    %add3A_27 = arith.constant 128000 : i32
    %add3A_28 = arith.addi %add3A_27, %mul3A_26 : i32
    "tpu.region"() ({
      %run_scoped3A = tpu.sem_alloc : memref<!tpu.dma_semaphore, #tpu.memory_space<semaphore_mem>>
      %dma_start3A = arith.constant 4000 : i32
      %dma_start3A_37 = tpu.memref_slice %arg5[%dma_start3A] : memref<10000xf32, #tpu.memory_space<vmem>> -> memref<2000xf32, #tpu.memory_space<vmem>>
      %dma_start3A_38 = tpu.memref_slice %arg3[%add3A_28] : memref<320000xf32, #tpu.memory_space<hbm>> -> memref<2000xf32, #tpu.memory_space<hbm>>
      %dma_start3A_39 = tpu.memref_slice %arg3[%add3A_28] : memref<320000xf32, #tpu.memory_space<hbm>> -> memref<2000xf32, #tpu.memory_space<hbm>>
      %dma_start3A_40 = arith.constant 4000 : i32
      %dma_start3A_41 = tpu.memref_slice %arg5[%dma_start3A_40] : memref<10000xf32, #tpu.memory_space<vmem>> -> memref<2000xf32, #tpu.memory_space<vmem>>
      tpu.enqueue_dma source(%dma_start3A_41 : memref<2000xf32, #tpu.memory_space<vmem>>) target(%dma_start3A_39 : memref<2000xf32, #tpu.memory_space<hbm>>) target_semaphore(%run_scoped3A : memref<!tpu.dma_semaphore, #tpu.memory_space<semaphore_mem>>)
      %dma_wait3A = arith.constant 4000 : i32
      %dma_wait3A_42 = tpu.memref_slice %arg5[%dma_wait3A] : memref<10000xf32, #tpu.memory_space<vmem>> -> memref<2000xf32, #tpu.memory_space<vmem>>
      %dma_wait3A_43 = tpu.memref_slice %arg3[%add3A_28] : memref<320000xf32, #tpu.memory_space<hbm>> -> memref<2000xf32, #tpu.memory_space<hbm>>
      %dma_wait3A_44 = tpu.memref_slice %arg3[%add3A_28] : memref<320000xf32, #tpu.memory_space<hbm>> -> memref<2000xf32, #tpu.memory_space<hbm>>
      %dma_wait3A_45 = arith.constant 4000 : i32
      %dma_wait3A_46 = tpu.memref_slice %arg5[%dma_wait3A_45] : memref<10000xf32, #tpu.memory_space<vmem>> -> memref<2000xf32, #tpu.memory_space<vmem>>
      tpu.wait_dma2 semaphore(%run_scoped3A : memref<!tpu.dma_semaphore, #tpu.memory_space<semaphore_mem>>) src(%dma_wait3A_46 : memref<2000xf32, #tpu.memory_space<vmem>>) dst(%dma_wait3A_44 : memref<2000xf32, #tpu.memory_space<hbm>>)
      tpu.yield
    }) : () -> ()
    %mul3A_29 = arith.constant 2000 : i32
    %mul3A_30 = arith.muli %add3A, %mul3A_29 : i32
    %add3A_31 = arith.constant 192000 : i32
    %add3A_32 = arith.addi %add3A_31, %mul3A_30 : i32
    "tpu.region"() ({
      %run_scoped3A = tpu.sem_alloc : memref<!tpu.dma_semaphore, #tpu.memory_space<semaphore_mem>>
      %dma_start3A = arith.constant 6000 : i32
      %dma_start3A_37 = tpu.memref_slice %arg5[%dma_start3A] : memref<10000xf32, #tpu.memory_space<vmem>> -> memref<2000xf32, #tpu.memory_space<vmem>>
      %dma_start3A_38 = tpu.memref_slice %arg3[%add3A_32] : memref<320000xf32, #tpu.memory_space<hbm>> -> memref<2000xf32, #tpu.memory_space<hbm>>
      %dma_start3A_39 = tpu.memref_slice %arg3[%add3A_32] : memref<320000xf32, #tpu.memory_space<hbm>> -> memref<2000xf32, #tpu.memory_space<hbm>>
      %dma_start3A_40 = arith.constant 6000 : i32
      %dma_start3A_41 = tpu.memref_slice %arg5[%dma_start3A_40] : memref<10000xf32, #tpu.memory_space<vmem>> -> memref<2000xf32, #tpu.memory_space<vmem>>
      tpu.enqueue_dma source(%dma_start3A_41 : memref<2000xf32, #tpu.memory_space<vmem>>) target(%dma_start3A_39 : memref<2000xf32, #tpu.memory_space<hbm>>) target_semaphore(%run_scoped3A : memref<!tpu.dma_semaphore, #tpu.memory_space<semaphore_mem>>)
      %dma_wait3A = arith.constant 6000 : i32
      %dma_wait3A_42 = tpu.memref_slice %arg5[%dma_wait3A] : memref<10000xf32, #tpu.memory_space<vmem>> -> memref<2000xf32, #tpu.memory_space<vmem>>
      %dma_wait3A_43 = tpu.memref_slice %arg3[%add3A_32] : memref<320000xf32, #tpu.memory_space<hbm>> -> memref<2000xf32, #tpu.memory_space<hbm>>
      %dma_wait3A_44 = tpu.memref_slice %arg3[%add3A_32] : memref<320000xf32, #tpu.memory_space<hbm>> -> memref<2000xf32, #tpu.memory_space<hbm>>
      %dma_wait3A_45 = arith.constant 6000 : i32
      %dma_wait3A_46 = tpu.memref_slice %arg5[%dma_wait3A_45] : memref<10000xf32, #tpu.memory_space<vmem>> -> memref<2000xf32, #tpu.memory_space<vmem>>
      tpu.wait_dma2 semaphore(%run_scoped3A : memref<!tpu.dma_semaphore, #tpu.memory_space<semaphore_mem>>) src(%dma_wait3A_46 : memref<2000xf32, #tpu.memory_space<vmem>>) dst(%dma_wait3A_44 : memref<2000xf32, #tpu.memory_space<hbm>>)
      tpu.yield
    }) : () -> ()
    %mul3A_33 = arith.constant 2000 : i32
    %mul3A_34 = arith.muli %add3A, %mul3A_33 : i32
    %add3A_35 = arith.constant 256000 : i32
    %add3A_36 = arith.addi %add3A_35, %mul3A_34 : i32
    "tpu.region"() ({
      %run_scoped3A = tpu.sem_alloc : memref<!tpu.dma_semaphore, #tpu.memory_space<semaphore_mem>>
      %dma_start3A = arith.constant 8000 : i32
      %dma_start3A_37 = tpu.memref_slice %arg5[%dma_start3A] : memref<10000xf32, #tpu.memory_space<vmem>> -> memref<2000xf32, #tpu.memory_space<vmem>>
      %dma_start3A_38 = tpu.memref_slice %arg3[%add3A_36] : memref<320000xf32, #tpu.memory_space<hbm>> -> memref<2000xf32, #tpu.memory_space<hbm>>
      %dma_start3A_39 = tpu.memref_slice %arg3[%add3A_36] : memref<320000xf32, #tpu.memory_space<hbm>> -> memref<2000xf32, #tpu.memory_space<hbm>>
      %dma_start3A_40 = arith.constant 8000 : i32
      %dma_start3A_41 = tpu.memref_slice %arg5[%dma_start3A_40] : memref<10000xf32, #tpu.memory_space<vmem>> -> memref<2000xf32, #tpu.memory_space<vmem>>
      tpu.enqueue_dma source(%dma_start3A_41 : memref<2000xf32, #tpu.memory_space<vmem>>) target(%dma_start3A_39 : memref<2000xf32, #tpu.memory_space<hbm>>) target_semaphore(%run_scoped3A : memref<!tpu.dma_semaphore, #tpu.memory_space<semaphore_mem>>)
      %dma_wait3A = arith.constant 8000 : i32
      %dma_wait3A_42 = tpu.memref_slice %arg5[%dma_wait3A] : memref<10000xf32, #tpu.memory_space<vmem>> -> memref<2000xf32, #tpu.memory_space<vmem>>
      %dma_wait3A_43 = tpu.memref_slice %arg3[%add3A_36] : memref<320000xf32, #tpu.memory_space<hbm>> -> memref<2000xf32, #tpu.memory_space<hbm>>
      %dma_wait3A_44 = tpu.memref_slice %arg3[%add3A_36] : memref<320000xf32, #tpu.memory_space<hbm>> -> memref<2000xf32, #tpu.memory_space<hbm>>
      %dma_wait3A_45 = arith.constant 8000 : i32
      %dma_wait3A_46 = tpu.memref_slice %arg5[%dma_wait3A_45] : memref<10000xf32, #tpu.memory_space<vmem>> -> memref<2000xf32, #tpu.memory_space<vmem>>
      tpu.wait_dma2 semaphore(%run_scoped3A : memref<!tpu.dma_semaphore, #tpu.memory_space<semaphore_mem>>) src(%dma_wait3A_46 : memref<2000xf32, #tpu.memory_space<vmem>>) dst(%dma_wait3A_44 : memref<2000xf32, #tpu.memory_space<hbm>>)
      tpu.yield
    }) : () -> ()
    return
  }
}

module attributes {stable_mosaic.version = 14 : i64} {
  func.func @_dense_body(%arg0: i32, %arg1: memref<2000x128xf32, #tpu.memory_space<vmem>>, %arg2: memref<1x32x2000xf32, #tpu.memory_space<vmem>>, %arg3: memref<128x128xf32, #tpu.memory_space<vmem>>, %arg4: memref<1x128xf32, #tpu.memory_space<vmem>>, %arg5: memref<128x64xf32, #tpu.memory_space<vmem>>, %arg6: memref<1x64xf32, #tpu.memory_space<vmem>>, %arg7: memref<2000x64xf32, #tpu.memory_space<vmem>>) attributes {dimension_semantics = [#tpu.dimension_semantics<arbitrary>], iteration_bounds = array<i64: 5>, scalar_prefetch = 0 : i64, scratch_operands = 0 : i64, tpu.core_type = #tpu.core_type<tc>, window_params = [{transform_indices = @transform_0, window_bounds = array<i64: 2000, 128>}, {transform_indices = @transform_1, window_bounds = array<i64: 1, 32, 2000>}, {pipeline_mode = #tpu.pipeline_mode<synchronous>, transform_indices = @transform_2, window_bounds = array<i64: 128, 128>}, {pipeline_mode = #tpu.pipeline_mode<synchronous>, transform_indices = @transform_3, window_bounds = array<i64: 1, 128>}, {pipeline_mode = #tpu.pipeline_mode<synchronous>, transform_indices = @transform_4, window_bounds = array<i64: 128, 64>}, {pipeline_mode = #tpu.pipeline_mode<synchronous>, transform_indices = @transform_5, window_bounds = array<i64: 1, 64>}, {transform_indices = @transform_6, window_bounds = array<i64: 2000, 64>}]} {
    %get3A = arith.constant 0 : index
    %get3A_0 = arith.constant 0 : index
    %get3A_1 = arith.constant 0 : index
    %get3A_2 = vector.load %arg2[%get3A, %get3A_0, %get3A_1] : memref<1x32x2000xf32, #tpu.memory_space<vmem>>, vector<1x32x2000xf32>
    %get3A_3 = vector.shape_cast %get3A_2 : vector<1x32x2000xf32> to vector<32x2000xf32>
    %reduce_sum3A = arith.constant dense<0.000000e+00> : vector<2000xf32>
    %reduce_sum3A_4 = vector.multi_reduction <add>, %get3A_3, %reduce_sum3A [0] : vector<32x2000xf32> to vector<2000xf32>
    %gt3A = arith.constant 0.000000e+00 : f32
    %gt3A_5 = vector.broadcast %gt3A : f32 to vector<2000xf32>
    %gt3A_6 = arith.cmpf ogt, %reduce_sum3A_4, %gt3A_5 : vector<2000xf32>
    %convert_element_type3A = arith.extui %gt3A_6 : vector<2000xi1> to vector<2000xi32>
    %convert_element_type3A_7 = arith.sitofp %convert_element_type3A : vector<2000xi32> to vector<2000xf32>
    %broadcast_in_dim3A = vector.shape_cast %convert_element_type3A_7 : vector<2000xf32> to vector<2000x1xf32>
    %get3A_8 = arith.constant 0 : index
    %get3A_9 = arith.constant 0 : index
    %get3A_10 = vector.load %arg1[%get3A_8, %get3A_9] : memref<2000x128xf32, #tpu.memory_space<vmem>>, vector<2000x128xf32>
    %get3A_11 = arith.constant 0 : index
    %get3A_12 = arith.constant 0 : index
    %get3A_13 = vector.load %arg3[%get3A_11, %get3A_12] : memref<128x128xf32, #tpu.memory_space<vmem>>, vector<128x128xf32>
    %dot_general3A = arith.constant dense<0.000000e+00> : vector<2000x128xf32>
    %dot_general3A_14 = tpu.matmul %get3A_10, %get3A_13, %dot_general3A {dimension_numbers = #tpu.dot_dimension_numbers<[1], [0], [0], [1], [0, 0, 1, 1], [], []>, transpose_lhs_hint = false} : vector<2000x128xf32>, vector<128x128xf32>, vector<2000x128xf32> -> vector<2000x128xf32>
    %get3A_15 = arith.constant 0 : index
    %get3A_16 = arith.constant 0 : index
    %get3A_17 = vector.load %arg4[%get3A_15, %get3A_16] : memref<1x128xf32, #tpu.memory_space<vmem>>, vector<1x128xf32>
    %add3A = vector.broadcast %get3A_17 : vector<1x128xf32> to vector<2000x128xf32>
    %add3A_18 = arith.addf %dot_general3A_14, %add3A : vector<2000x128xf32>
    %max3A = arith.constant 0.000000e+00 : f32
    %max3A_19 = vector.broadcast %max3A : f32 to vector<2000x128xf32>
    %max3A_20 = arith.maximumf %add3A_18, %max3A_19 : vector<2000x128xf32>
    %get3A_21 = arith.constant 0 : index
    %get3A_22 = arith.constant 0 : index
    %get3A_23 = vector.load %arg5[%get3A_21, %get3A_22] : memref<128x64xf32, #tpu.memory_space<vmem>>, vector<128x64xf32>
    %dot_general3A_24 = arith.constant dense<0.000000e+00> : vector<2000x64xf32>
    %dot_general3A_25 = tpu.matmul %max3A_20, %get3A_23, %dot_general3A_24 {dimension_numbers = #tpu.dot_dimension_numbers<[1], [0], [0], [1], [0, 0, 1, 1], [], []>, transpose_lhs_hint = false} : vector<2000x128xf32>, vector<128x64xf32>, vector<2000x64xf32> -> vector<2000x64xf32>
    %get3A_26 = arith.constant 0 : index
    %get3A_27 = arith.constant 0 : index
    %get3A_28 = vector.load %arg6[%get3A_26, %get3A_27] : memref<1x64xf32, #tpu.memory_space<vmem>>, vector<1x64xf32>
    %add3A_29 = vector.broadcast %get3A_28 : vector<1x64xf32> to vector<2000x64xf32>
    %add3A_30 = arith.addf %dot_general3A_25, %add3A_29 : vector<2000x64xf32>
    %mul3A = vector.broadcast %broadcast_in_dim3A : vector<2000x1xf32> to vector<2000x64xf32>
    %mul3A_31 = arith.mulf %add3A_30, %mul3A : vector<2000x64xf32>
    %reduce_max3A = arith.constant dense<0xFF800000> : vector<2000xf32>
    %reduce_max3A_32 = vector.multi_reduction <maximumf>, %mul3A_31, %reduce_max3A [1] : vector<2000x64xf32> to vector<2000xf32>
    %broadcast_in_dim3A_33 = vector.shape_cast %reduce_max3A_32 : vector<2000xf32> to vector<2000x1xf32>
    %sub3A = vector.broadcast %broadcast_in_dim3A_33 : vector<2000x1xf32> to vector<2000x64xf32>
    %sub3A_34 = arith.subf %mul3A_31, %sub3A : vector<2000x64xf32>
    %exp3A = math.exp %sub3A_34 : vector<2000x64xf32>
    %reduce_sum3A_35 = arith.constant dense<0.000000e+00> : vector<2000xf32>
    %reduce_sum3A_36 = vector.multi_reduction <add>, %exp3A, %reduce_sum3A_35 [1] : vector<2000x64xf32> to vector<2000xf32>
    %broadcast_in_dim3A_37 = vector.shape_cast %reduce_sum3A_36 : vector<2000xf32> to vector<2000x1xf32>
    %log3A = math.log %broadcast_in_dim3A_37 : vector<2000x1xf32>
    %sub3A_38 = vector.broadcast %log3A : vector<2000x1xf32> to vector<2000x64xf32>
    %sub3A_39 = arith.subf %sub3A_34, %sub3A_38 : vector<2000x64xf32>
    %swap3A = arith.constant 0 : index
    %swap3A_40 = arith.constant 0 : index
    %swap3A_41 = vector.load %arg7[%swap3A, %swap3A_40] : memref<2000x64xf32, #tpu.memory_space<vmem>>, vector<2000x64xf32>
    tpu.vector_store %arg7[%swap3A, %swap3A_40], %sub3A_39 {strides = array<i32>} : memref<2000x64xf32, #tpu.memory_space<vmem>>, vector<2000x64xf32>,
    return
  }
  func.func @transform_0(%arg0: i32) -> (i32, i32) {
    %c0_i32 = arith.constant 0 : i32
    %c0_i32_0 = arith.constant 0 : i32
    return %arg0, %c0_i32 : i32, i32
  }
  func.func @transform_1(%arg0: i32) -> (i32, i32, i32) {
    %c0_i32 = arith.constant 0 : i32
    %c0_i32_0 = arith.constant 0 : i32
    %c0_i32_1 = arith.constant 0 : i32
    return %arg0, %c0_i32, %c0_i32_0 : i32, i32, i32
  }
  func.func @transform_2(%arg0: i32) -> (i32, i32) {
    %c0_i32 = arith.constant 0 : i32
    %c0_i32_0 = arith.constant 0 : i32
    %c0_i32_1 = arith.constant 0 : i32
    return %c0_i32, %c0_i32_0 : i32, i32
  }
  func.func @transform_3(%arg0: i32) -> (i32, i32) {
    %c0_i32 = arith.constant 0 : i32
    %c0_i32_0 = arith.constant 0 : i32
    %c0_i32_1 = arith.constant 0 : i32
    return %c0_i32, %c0_i32_0 : i32, i32
  }
  func.func @transform_4(%arg0: i32) -> (i32, i32) {
    %c0_i32 = arith.constant 0 : i32
    %c0_i32_0 = arith.constant 0 : i32
    %c0_i32_1 = arith.constant 0 : i32
    return %c0_i32, %c0_i32_0 : i32, i32
  }
  func.func @transform_5(%arg0: i32) -> (i32, i32) {
    %c0_i32 = arith.constant 0 : i32
    %c0_i32_0 = arith.constant 0 : i32
    %c0_i32_1 = arith.constant 0 : i32
    return %c0_i32, %c0_i32_0 : i32, i32
  }
  func.func @transform_6(%arg0: i32) -> (i32, i32) {
    %c0_i32 = arith.constant 0 : i32
    %c0_i32_0 = arith.constant 0 : i32
    return %arg0, %c0_i32 : i32, i32
  }
}

</mosaic_0001>

<sc_bundles>
// kernel: kernel.4.cloned.1.call-start
scs
__scs_entry_jumppad:
0x0: {  	(pc) =	sbr.rel $0x88, $3  }
0x1: {  	(tag) =	ssettag $0x0;
	lr =	simm.s32 $0x1  }
0x2: {  	[smem:$0x3F9B] =	sst lr;
	_ =	strace $0xD0000000  }
0x3: {  	_ = 	snop  }
0x4: {  	_ = 	snop  }
0x5: {  	_ = 	snop  }
0x6: {  	_ = 	snop  }
0x7: {  	_ = 	snop  }
__scs_overlays_trampoline_lowered:
0x8: {  	[smem:$0x3FAA] =	sst s0  }
0x9: {  	[smem:$0x3FAB] =	sst s1  }
0xa: {  	[smem:$0x3FAC] =	sst s2  }
0xb: {  	[smem:$0x3FAD] =	sst s3  }
0xc: {  	[smem:$0x3FAE] =	sst s4  }
0xd: {  	[smem:$0x3FAF] =	sst s5  }
0xe: {  	[smem:$0x3FB0] =	sst s6  }
0xf: {  	[smem:$0x3FB1] =	sst s7  }
0x10: {  	[smem:$0x3FB2] =	sst s8  }
0x11: {  	[smem:$0x3FB3] =	sst s9;
	s0 =	simm.s32 @!p0 $0x0  }
0x12: {  	s1 =	sld [smem:$0x3F99];
	s0 =	simm.s32 @p0 $0x1  }
0x13: {  	[smem:$0x3FB4] =	sst s0;
	s0 =	simm.s32 @!p1 $0x0  }
0x14: {  	s2 =	sld [smem:$0x3F98];
	s0 =	simm.s32 @p1 $0x1  }
0x15: {  	[smem:$0x3FB5] =	sst s0;
	s0 =	simm.s32 @!p2 $0x0  }
0x16: {  	s3 =	sld [smem:$0x3FDB];
	s0 =	simm.s32 @p2 $0x1  }
0x17: {  	s4 =	simm.s32 $0x1BF5;
	[smem:$0x3FB7] =	sst s0  }
0x18: {  	s0 =	sld [smem:$0x3F9A];
	_ =	swait.ge [sflag:s4], $0x0  }
0x19: {  	s7 =	sld [smem:$0x3F9B]  }
0x1a: {  	s8 =	sadd.s32 $0xFFFFE003, lr  }
0x1b: {  	s9 =	sadd.s32 $0xFFFFFEF7, lr;
	s5 =	simm.s32 $0xFFFFFFFF;
	p2 =	slt.u32 s8, $0xFFFFF086  }
0x1c: {  	p1 =	slt.u32 s9, $0xF7A;
	s5 =	simm.s32 @!p2 $0x0  }
0x1d: {  	s5 =	simm.s32 @p1 $0x1;
	p0 =	seq.s32 s7, s2  }
0x1e: {  	s7 =	smul.u32 @!p0 $0xF7A, s2;
	p2 =	seq.s32 @!p0 s5, $0x0  }
0x1f: {  	s9 =	smul.u32 $0xF7A, s1;
	s8 =	simm.s32 @!p0 $0x1BF5;
	p2 =	por !p2, p0  }
0x20: {  	[sflag:s8] =	ssyncset.s32 @!p0 $0xFFFFF086;
	s6 =	sadd.s32 @!p0 s3, s7;
	s7 =	simm.s32 @!p0 $0x108  }
0x21: {  	s3 =	sadd.s32 s3, s9;
	s6 =	sadd.s32 @!p0 $0x88, s6;
	s7 =	simm.s32 @p2 $0x1082  }
0x22: {  	[simem:s7], [sflag:s8] =	dma.local @!p0 [hbm:s6], $0xF7A  }
0x23: {  	s9 =	sor.u32 $0xD0000000, s2;
	s6 =	simm.s32 $0x108;
	_ =	swait.ge @!p0 [sflag:s8], $0x0  }
0x24: {  	s3 =	sadd.s32 $0x88, s3;
	s6 =	simm.s32 @!p1 $0x1082;
	[sflag:s4] =	ssyncset.s32 $0xFFFFF086  }
0x25: {  	[simem:s6], [sflag:s4] =	dma.local [hbm:s3], $0xF7A  }
0x26: {  	[smem:$0x3F9B] =	sst s1;
	(tag) =	ssettag s2;
	_ =	strace s9  }
0x27: {  	s1 =	sld [smem:$0x3FAB]  }
0x28: {  	s2 =	sld [smem:$0x3FAC]  }
0x29: {  	s4 =	sld [smem:$0x3FAE]  }
0x2a: {  	p0 =	seq.s32 s5, $0x0;
	s5 =	sld [smem:$0x3FAF]  }
0x2b: {  	s6 =	sld [smem:$0x3FB0]  }
0x2c: {  	s7 =	sld [smem:$0x3FB1]  }
0x2d: {  	s3 =	simm.s32 $0x108;
	s8 =	sld [smem:$0x3FB2]  }
0x2e: {  	s3 =	simm.s32 @!p0 $0x1082;
	s9 =	sld [smem:$0x3FB3]  }
0x2f: {  	lr =	sadd.s32 s0, s3;
	s0 =	sld [smem:$0x3FAA]  }
0x30: {  	s3 =	sld [smem:$0x3FAD]  }
0x31: {  	[smem:$0x3FB6] =	sst s10  }
0x32: {  	s10 =	sld [smem:$0x3FB4];
	_ =	sdelay $0x3  }
0x33: {  	p0 =	seq.s32 s10, $0x1;
	s10 =	sld [smem:$0x3FB6];
	_ =	sdelay $0x3  }
0x34: {  	[smem:$0x3FB6] =	sst s10  }
0x35: {  	s10 =	sld [smem:$0x3FB5];
	_ =	sdelay $0x3  }
0x36: {  	p1 =	seq.s32 s10, $0x1;
	s10 =	sld [smem:$0x3FB6];
	_ =	sdelay $0x3  }
0x37: {  	[smem:$0x3FB6] =	sst s10  }
0x38: {  	s10 =	sld [smem:$0x3FB7]  }
0x39: {  	_ = 	snop;
	(pc) =	sbr.ind lr, $3  }
0x3a: {  	_ = 	snop  }
0x3b: {  	_ = 	snop  }
0x3c: {  	p2 =	seq.s32 s10, $0x1;
	s10 =	sld [smem:$0x3FB6]  }
0x3d: {  	_ =	shalt  }
0x3e: {  	_ =	shalt  }
0x3f: {  	_ =	shalt  }
0x40: {  	_ =	shalt  }
0x41: {  	_ =	shalt  }
0x42: {  	_ =	shalt  }
0x43: {  	_ =	shalt  }
0x44: {  	_ =	shalt  }
0x45: {  	_ =	shalt  }
0x46: {  	_ =	shalt  }
0x47: {  	_ =	shalt  }
0x48: {  	_ =	shalt  }
0x49: {  	_ =	shalt  }
0x4a: {  	_ =	shalt  }
0x4b: {  	_ =	shalt  }
0x4c: {  	_ =	shalt  }
0x4d: {  	_ =	shalt  }
0x4e: {  	_ =	shalt  }
0x4f: {  	_ =	shalt  }
0x50: {  	_ =	shalt  }
0x51: {  	_ =	shalt  }
0x52: {  	_ =	shalt  }
0x53: {  	_ =	shalt  }
0x54: {  	_ =	shalt  }
0x55: {  	_ =	shalt  }
0x56: {  	_ =	shalt  }
0x57: {  	_ =	shalt  }
0x58: {  	_ =	shalt  }
0x59: {  	_ =	shalt  }
0x5a: {  	_ =	shalt  }
0x5b: {  	_ =	shalt  }
0x5c: {  	_ =	shalt  }
0x5d: {  	_ =	shalt  }
0x5e: {  	_ =	shalt  }
0x5f: {  	_ =	shalt  }
0x60: {  	_ =	shalt  }
0x61: {  	_ =	shalt  }
0x62: {  	_ =	shalt  }
0x63: {  	_ =	shalt  }
0x64: {  	_ =	shalt  }
0x65: {  	_ =	shalt  }
0x66: {  	_ =	shalt  }
0x67: {  	_ =	shalt  }
0x68: {  	_ =	shalt  }
0x69: {  	_ =	shalt  }
0x6a: {  	_ =	shalt  }
0x6b: {  	_ =	shalt  }
0x6c: {  	_ =	shalt  }
0x6d: {  	_ =	shalt  }
0x6e: {  	_ =	shalt  }
0x6f: {  	_ =	shalt  }
0x70: {  	_ =	shalt  }
0x71: {  	_ =	shalt  }
0x72: {  	_ =	shalt  }
0x73: {  	_ =	shalt  }
0x74: {  	_ =	shalt  }
0x75: {  	_ =	shalt  }
0x76: {  	_ =	shalt  }
0x77: {  	_ =	shalt  }
0x78: {  	_ =	shalt  }
0x79: {  	_ =	shalt  }
0x7a: {  	_ =	shalt  }
0x7b: {  	_ =	shalt  }
0x7c: {  	_ =	shalt  }
0x7d: {  	_ =	shalt  }
0x7e: {  	_ =	shalt  }
0x7f: {  	_ =	shalt  }
0x80: {  	_ =	shalt  }
0x81: {  	_ =	shalt  }
0x82: {  	_ =	shalt  }
0x83: {  	_ =	shalt  }
0x84: {  	_ =	shalt  }
0x85: {  	_ =	shalt  }
0x86: {  	_ =	shalt  }
0x87: {  	_ =	shalt  }
.Lfunc_end0:
.L_simem_size_0:
called_computation_lowered:
.L_overlay_start_0:
0x88: {  	s2 =	sld [smem:$0x3FD9]  }
0x89: {  	s3 =	sld [smem:$0x3FFE];
	_ =	sdelay $0x1  }
0x8a: {  	s1 =	srdreg.scid  }
0x8b: {  	s0 =	sand.u32 $0x1, s1  }
0x8c: {  	s18 =	sshll.u32 s0, $0xA;
	s2 =	sadd.s32 s3, s2  }
0x8d: {  	s2 =	sadd.s32 s2, s18  }
0x8e: {  	[smem:$0x3FC2] =	sst s2  }
0x8f: {  	_ = 	snop  }
0x90: {  	s2 =	sld [smem:$0x3FC8]  }
0x91: {  	s19 =	sld [smem:$0x3FD0];
	(tm) =	ssettm $0x1  }
0x92: {  	s4 =	sld [smem:$0x3FFB];
	_ =	sdelay $0x3  }
0x93: {  	_ =	strace s4  }
0x94: {  	s4 =	sld [smem:$0x3FFC];
	_ =	sdelay $0x3  }
0x95: {  	_ =	strace s4  }
0x96: {  	s4 =	sld [smem:$0x3FFD];
	_ =	sdelay $0x3  }
0x97: {  	_ =	strace s4  }
0x98: {  	_ =	strace $0x8FFFFFFF  }
0x99: {  	s20 =	sld [smem:$0x3FDB];
	_ =	sdelay $0x1  }
0x9a: {  	s5 =	simm.s32 $_scs_section_size  }
0x9b: {  	s6 =	simm.s32 $_size__tile_overlayer_lowered;
	s7 =	simm.s32 $_tile_overlayer_lowered  }
0x9c: {  	s23 =	simm.s32 $0x1BFF;
	s22 =	sshll.u32 s7, $0x1;
	s4 =	sadd.s32 s5, s20  }
0x9d: {  	s8 =	simm.s32 $0x0;
	s21 =	sshll.u32 s6, $0x1;
	s6 =	sadd.s32 s22, s4  }
0x9e: {  	[timem:s8], [sflag:s23] =	dma.local [hbm:s6], s21  }
0x9f: {  	_ =	swait.ge [sflag:s23], s21  }
0xa0: {  	s5 =	ssub.s32 $0x0, s21;
	[sflag:s23] =	ssyncset.done $0x0  }
0xa1: {  	[sflag:s23] =	ssyncadd.s32 s5;
	_ =	sdelay $0x1  }
0xa2: {  	s24 =	simm.s32 $0x1B8B  }
0xa3: {  	_ =	swait.ge [sflag:s24], $0x1  }
0xa4: {  	[sflag:s24] =	ssyncset.done $0x0  }
0xa5: {  	s25 =	simm.s32 $0x1B8E;
	[sflag:s24] =	ssyncadd.s32 $0xFFFFFFFF  }
0xa6: {  	s26 =	simm.s32 $execute0_lowered;
	[smem:$0x3FD2] =	sst s25  }
0xa7: {  	s5 =	sshll.u32 s26, $0x1;
	_ =	strace $0x80000046;
	[dreg:$0x1] =	wrdreg $0xFFFFFFFF  }
0xa8: {  	s28 =	simm.s32 $_size_execute0_lowered;
	s4 =	sadd.s32 s4, s5;
	[dreg:$0x0] =	wrdreg $0x0  }
0xa9: {  	s5 =	sshll.u32 s28, $0x1;
	[dreg:$0x2] =	wrdreg s4  }
0xaa: {  	[dreg:$0x3] =	wrdreg s5  }
0xab: {  	[dreg:$0x4] =	wrdreg $0xC0  }
0xac: {  	_ =	task [dreg:s8], $0x5FFFF  }
0xad: {  	[dreg:$0x1] =	wrdreg $0xFFFFFFFF  }
0xae: {  	[dreg:$0x0] =	wrdreg $0x60  }
0xaf: {  	[dreg:$0x2] =	wrdreg s2  }
0xb0: {  	[dreg:$0x3] =	wrdreg s19  }
0xb1: {  	[dreg:$0x4] =	wrdreg $0x9  }
0xb2: {  	_ =	task.clear_ibuf [dreg:s8], $0x5FFFF;
	_ =	strace $0x90000046  }
0xb3: {  	s29 =	simm.s32 $0x9;
	_ =	strace $0x80000048  }
0xb4: {  	_ =	swait.ge [sflag:s29], $0x1  }
0xb5: {  	[sflag:s29] =	ssyncadd.s32 $0xFFFFFFFF  }
0xb6: {  	_ =	strace $0x90000048  }
0xb7: {  	_ =	sfence  }
0xb8: {  	s30 =	sld [smem:$0x0];
	_ =	sdelay $0x2  }
0xb9: {  	s31 =	sshll.u32 s1, $0xD;
	s1 =	sshrl.u32 s1, $0x2  }
0xba: {  	s3 =	sand.u32 $0x4000, s31;
	s1 =	sadd.s32 s1, s30  }
0xbb: {  	s0 =	sor.u32 s3, s0;
	s1 =	sshll.u32 s1, $0x11  }
0xbc: {  	s0 =	sor.u32 s1, s0  }
0xbd: {  	s0 =	sadd.s32 $0x8F2B, s0  }
0xbe: {  	[sflag:s0] =	ssyncadd.remote.s32 $0x1  }
0xbf: {  	_ =	sfence.sel $0xFFFF  }
0xc0: {  	[dreg:$0x0] =	wrdreg $0xFFFFFFFF;
	(pc) =	sbr.abs _section_cstart, $3  }
0xc1: {  	[dreg:$0x1] =	wrdreg $0xFFFFFFFF  }
0xc2: {  	_ =	task.clear_ibuf [dreg:s8], $0x2FFFF;
	_ =	strace $0x9FFFFFFF  }
0xc3: {  	(tm) =	ssettm $0x7FFFFFFF  }
tec
execute0_lowered:
.L_overlay_start_1:
0x0: {  	(tag) =	ssettag $0x1  }
0x1: {  	s1 =	srdreg.scid;
	s3 =	rddreg [dreg:$0x0]  }
0x2: {  	s0 =	stileid.u32;
	s5 =	rddreg [dreg:$0x1]  }
0x3: {  	s2 =	simm.s32 $0x0;
	s10 =	simm.s32 $0x1;
	s11 =	simm.s32 $0x4F00  }
0x4: {  	s12 =	simm.s32 $0x56D0;
	s13 =	simm.s32 $0x5EA0;
	s14 =	simm.s32 $0x6670  }
0x5: {  	s15 =	simm.s32 $0x6E40;
	s4 =	sand.u32 $0x1, s1;
	s30 =	sshll.u32 s0, $0x1  }
0x6: {  	s16 =	simm.s32 $0x0;
	s1 =	rddreg [dreg:$0x2];
	s6 =	sor.u32 s4, s30  }
0x7: {  	[smem:$0x7FF] =	sst s2;
	p0 =	slt.u32 s0, $0xE;
	s7 =	smul.u32 $0x4E, s6  }
0x8: {  	_ =	strace $0x80000047;
	s8 =	smax.u32 s6, $0x1C;
	s6 =	smul.u32 $0x7D0, s6  }
.Ltmp0:
0x9: {  	s4 =	ssub.s32 $0x2, s4;
	s7 =	sadd.s32 s7, s8;
	(pc) =	sbr.rel .LBB2_1-.Ltmp0, $4  }
0xa: {  	s31 =	sshrl.u32 s4, $0x1;
	s6 =	sshrl.u32 s6, $0x3;
	s7 =	sshll.u32 s7, $0x5  }
0xb: {  	s9 =	ssub.s32 s4, s31;
	s7 =	sadd.s32 s3, s7;
	s3 =	sadd.s32 s5, s6  }
0xc: {  	s9 =	smax.u32 s9, $0x1;
	s4 =	sadd.s32 $0xFFFFFC80, s7;
	s5 =	sadd.s32 $0x1F40, s3  }
0xd: {  	v0 =	vimm.f32 $0.0e+00;
	v1 =	vimm.f32 $1.000000000e+00;
	s6 =	sadd.s32 $0x3E80, s3;
	s7 =	sadd.s32 $0x5DC0, s3;
	s8 =	sadd.s32 $0x7D00, s3  }
.LBB2_9:
0xe: {  	_ =	sdelay $0x3  }
0xf: {  	[tilespmem:v2+s11+$0x0] =	vst.idx.msk $0xffff, v1  }
0x10: {  	[tilespmem:v3+s11+$0x0] =	vst.idx.msk $0xffff, v1  }
0x11: {  	[tilespmem:v4+s11+$0x0] =	vst.idx.msk $0xffff, v1  }
0x12: {  	[tilespmem:v5+s11+$0x0] =	vst.idx.msk $0xffff, v1  }
0x13: {  	[tilespmem:v6+s11+$0x0] =	vst.idx.msk $0xffff, v1  }
0x14: {  	[tilespmem:v7+s11+$0x0] =	vst.idx.msk $0xffff, v1  }
0x15: {  	[tilespmem:v8+s11+$0x0] =	vst.idx.msk $0xffff, v1  }
0x16: {  	[tilespmem:v9+s11+$0x0] =	vst.idx.msk $0xffff, v1  }
.LBB2_10:
0x17: {  	[hbm4b:s3+s2] =	stream.linear.scatter [tilespmem:s11], [sflag:$0x1], $0x7D0, $0x38;
	[tilespmem:$0x7680] =	vst v63  }
0x18: {  	_ =	swait.ge [sflag:s10], $0x7D0  }
0x19: {  	[sflag:s10] =	ssyncset.done $0x0  }
0x1a: {  	[sflag:s10] =	ssyncadd.s32 $0xFFFFF830  }
0x1b: {  	[hbm4b:s5+s2] =	stream.linear.scatter [tilespmem:s12], [sflag:$0x1], $0x7D0, $0x38;
	[tilespmem:$0x7680] =	vst v63  }
0x1c: {  	_ =	swait.ge [sflag:s10], $0x7D0  }
0x1d: {  	[sflag:s10] =	ssyncset.done $0x0  }
0x1e: {  	[sflag:s10] =	ssyncadd.s32 $0xFFFFF830  }
0x1f: {  	[hbm4b:s6+s2] =	stream.linear.scatter [tilespmem:s13], [sflag:$0x1], $0x7D0, $0x38;
	[tilespmem:$0x7680] =	vst v63  }
0x20: {  	_ =	swait.ge [sflag:s10], $0x7D0  }
0x21: {  	[sflag:s10] =	ssyncset.done $0x0  }
0x22: {  	[sflag:s10] =	ssyncadd.s32 $0xFFFFF830  }
0x23: {  	[hbm4b:s7+s2] =	stream.linear.scatter [tilespmem:s14], [sflag:$0x1], $0x7D0, $0x38;
	[tilespmem:$0x7680] =	vst v63  }
0x24: {  	s16 =	sadd.s32 $0x1, s16;
	_ =	swait.ge [sflag:s10], $0x7D0  }
0x25: {  	p1 =	sne.s32 s16, s9;
	[sflag:s10] =	ssyncset.done $0x0  }
.Ltmp1:
0x26: {  	[sflag:s10] =	ssyncadd.s32 $0xFFFFF830;
	(pc) =	sbr.rel @!p1 .LBB2_11-.Ltmp1, $4  }
0x27: {  	[hbm4b:s8+s2] =	stream.linear.scatter [tilespmem:s15], [sflag:$0x1], $0x7D0, $0x38;
	[tilespmem:$0x7680] =	vst v63  }
0x28: {  	_ =	swait.ge [sflag:s10], $0x7D0  }
0x29: {  	[sflag:s10] =	ssyncset.done $0x0  }
0x2a: {  	[sflag:s10] =	ssyncadd.s32 $0xFFFFF830  }
.LBB2_1:
0x2b: {  	s17 =	simm.s32 $0x4F40  }
0x2c: {  	[tilespmem:s17+$0xFFFFFFC0] =	vst v0  }
0x2d: {  	[tilespmem:s17+$0x30] =	vst v0  }
0x2e: {  	[tilespmem:s17+$0x20] =	vst v0  }
0x2f: {  	[tilespmem:s17+$0x10] =	vst v0  }
0x30: {  	[tilespmem:s17+$0x0] =	vst v0  }
0x31: {  	[tilespmem:s17+$0xFFFFFFF0] =	vst v0  }
0x32: {  	s18 =	simm.s32 $0x0;
	[tilespmem:s17+$0xFFFFFFE0] =	vst v0  }
.LBB2_2:
0x33: {  	s18 =	sadd.s32 $0x80, s18;
	[tilespmem:s17+$0xFFFFFFD0] =	vst v0;
	s17 =	sadd.s32 $0x80, s17  }
0x34: {  	[tilespmem:s17+$0xFFFFFFC0] =	vst v0;
	p1 =	slt.u32 s18, $0x2680  }
0x35: {  	[tilespmem:s17+$0x30] =	vst v0  }
.Ltmp2:
0x36: {  	[tilespmem:s17+$0x20] =	vst v0;
	(pc) =	sbr.rel @p1 .LBB2_2-.Ltmp2, $4  }
0x37: {  	[tilespmem:s17+$0x10] =	vst v0  }
0x38: {  	[tilespmem:s17+$0x0] =	vst v0  }
0x39: {  	[tilespmem:s17+$0xFFFFFFF0] =	vst v0  }
0x3a: {  	[tilespmem:s17+$0xFFFFFFE0] =	vst v0  }
.Ltmp3:
0x3b: {  	(pc) =	sbr.rel @p0 .LBB2_7-.Ltmp3, $3  }
0x3c: {  	_ =	sdelay $0x1  }
0x3d: {  	[tilespmem:s17+$0xFFFFFFD0] =	vst v0  }
0x3e: {  	[tilespmem:$0x7600] =	vst v0  }
0x3f: {  	[tilespmem:s2], [sflag:$0x1] =	stream.linear.gather [hbm4b:s4+s2], $0x4F00, $0x38;
	[tilespmem:$0x7680] =	vst v63  }
0x40: {  	_ =	swait.ge [sflag:s10], $0x4F00  }
0x41: {  	[sflag:s10] =	ssyncset.done $0x0  }
0x42: {  	s18 =	simm.s32 $0x40;
	[sflag:s10] =	ssyncadd.s32 $0xFFFFB100  }
0x43: {  	v2 =	vld [tilespmem:s18+$0x30]  }
0x44: {  	v3 =	vld [tilespmem:s18+$0xFFFFFFD0]  }
0x45: {  	v4 =	vld [tilespmem:s18+$0xFFFFFFE0]  }
0x46: {  	v5 =	vld [tilespmem:s18+$0xFFFFFFF0]  }
0x47: {  	v6 =	vld [tilespmem:s18+$0x0]  }
0x48: {  	v7 =	vld [tilespmem:s18+$0x10]  }
0x49: {  	v8 =	vld [tilespmem:s18+$0x20]  }
0x4a: {  	s17 =	simm.s32 $0x0;
	v9 =	vld [tilespmem:s18+$0xFFFFFFC0];
	s18 =	simm.s32 $0x140  }
.LBB2_5:
0x4b: {  	s17 =	sadd.s32 $0x80, s17;
	[tilespmem:v2+s11+$0x0] =	vst.idx.msk $0xffff, v1;
	v2 =	vld [tilespmem:s18+$0x30]  }
0x4c: {  	p1 =	slt.u32 s17, $0x2700;
	[tilespmem:v3+s11+$0x0] =	vst.idx.msk $0xffff, v1;
	v3 =	vld [tilespmem:s18+$0xFFFFFFD0]  }
0x4d: {  	[tilespmem:v4+s11+$0x0] =	vst.idx.msk $0xffff, v1;
	v4 =	vld [tilespmem:s18+$0xFFFFFFE0]  }
.Ltmp4:
0x4e: {  	[tilespmem:v5+s11+$0x0] =	vst.idx.msk $0xffff, v1;
	v5 =	vld [tilespmem:s18+$0xFFFFFFF0];
	(pc) =	sbr.rel @p1 .LBB2_5-.Ltmp4, $4  }
0x4f: {  	[tilespmem:v6+s11+$0x0] =	vst.idx.msk $0xffff, v1;
	v6 =	vld [tilespmem:s18+$0x0]  }
0x50: {  	[tilespmem:v7+s11+$0x0] =	vst.idx.msk $0xffff, v1;
	v7 =	vld [tilespmem:s18+$0x10]  }
0x51: {  	[tilespmem:v8+s11+$0x0] =	vst.idx.msk $0xffff, v1;
	v8 =	vld [tilespmem:s18+$0x20]  }
0x52: {  	[tilespmem:v9+s11+$0x0] =	vst.idx.msk $0xffff, v1;
	v9 =	vld [tilespmem:s18+$0xFFFFFFC0];
	s18 =	sadd.s32 $0x100, s18  }
0x53: {  	_ =	sdelay $0x3  }
0x54: {  	[tilespmem:v2+s11+$0x0] =	vst.idx.msk $0xffff, v1  }
0x55: {  	[tilespmem:v3+s11+$0x0] =	vst.idx.msk $0xffff, v1  }
0x56: {  	[tilespmem:v4+s11+$0x0] =	vst.idx.msk $0xffff, v1  }
.Ltmp5:
0x57: {  	[tilespmem:v5+s11+$0x0] =	vst.idx.msk $0xffff, v1;
	(pc) =	sbr.rel .LBB2_10-.Ltmp5, $4  }
0x58: {  	[tilespmem:v6+s11+$0x0] =	vst.idx.msk $0xffff, v1  }
0x59: {  	[tilespmem:v7+s11+$0x0] =	vst.idx.msk $0xffff, v1  }
0x5a: {  	[tilespmem:v8+s11+$0x0] =	vst.idx.msk $0xffff, v1  }
0x5b: {  	[tilespmem:v9+s11+$0x0] =	vst.idx.msk $0xffff, v1  }
.LBB2_7:
0x5c: {  	[tilespmem:s2], [sflag:$0x1] =	stream.linear.gather [hbm4b:s4+s2], $0x4E00, $0x38;
	[tilespmem:$0x7680] =	vst v63  }
0x5d: {  	_ =	swait.ge [sflag:s10], $0x4E00  }
0x5e: {  	[sflag:s10] =	ssyncset.done $0x0  }
0x5f: {  	s18 =	simm.s32 $0x40;
	[sflag:s10] =	ssyncadd.s32 $0xFFFFB200  }
0x60: {  	v2 =	vld [tilespmem:s18+$0x30]  }
0x61: {  	v3 =	vld [tilespmem:s18+$0xFFFFFFD0]  }
0x62: {  	v4 =	vld [tilespmem:s18+$0xFFFFFFE0]  }
0x63: {  	v5 =	vld [tilespmem:s18+$0xFFFFFFF0]  }
0x64: {  	v6 =	vld [tilespmem:s18+$0x0]  }
0x65: {  	v7 =	vld [tilespmem:s18+$0x10]  }
0x66: {  	v8 =	vld [tilespmem:s18+$0x20]  }
0x67: {  	s17 =	simm.s32 $0x0;
	v9 =	vld [tilespmem:s18+$0xFFFFFFC0];
	s18 =	simm.s32 $0x140  }
.LBB2_8:
0x68: {  	s17 =	sadd.s32 $0x80, s17;
	[tilespmem:v2+s11+$0x0] =	vst.idx.msk $0xffff, v1;
	v2 =	vld [tilespmem:s18+$0x30]  }
0x69: {  	p1 =	slt.u32 s17, $0x2680;
	[tilespmem:v3+s11+$0x0] =	vst.idx.msk $0xffff, v1;
	v3 =	vld [tilespmem:s18+$0xFFFFFFD0]  }
0x6a: {  	[tilespmem:v4+s11+$0x0] =	vst.idx.msk $0xffff, v1;
	v4 =	vld [tilespmem:s18+$0xFFFFFFE0]  }
.Ltmp6:
0x6b: {  	[tilespmem:v5+s11+$0x0] =	vst.idx.msk $0xffff, v1;
	v5 =	vld [tilespmem:s18+$0xFFFFFFF0];
	(pc) =	sbr.rel @p1 .LBB2_8-.Ltmp6, $4  }
0x6c: {  	[tilespmem:v6+s11+$0x0] =	vst.idx.msk $0xffff, v1;
	v6 =	vld [tilespmem:s18+$0x0]  }
0x6d: {  	[tilespmem:v7+s11+$0x0] =	vst.idx.msk $0xffff, v1;
	v7 =	vld [tilespmem:s18+$0x10]  }
0x6e: {  	[tilespmem:v8+s11+$0x0] =	vst.idx.msk $0xffff, v1;
	v8 =	vld [tilespmem:s18+$0x20]  }
0x6f: {  	[tilespmem:v9+s11+$0x0] =	vst.idx.msk $0xffff, v1;
	v9 =	vld [tilespmem:s18+$0xFFFFFFC0];
	s18 =	sadd.s32 $0x100, s18  }
.Ltmp7:
0x70: {  	_ = 	snop;
	(pc) =	sbr.rel .LBB2_9-.Ltmp7, $1  }
0x71: {  	_ =	sdelay $0x3  }
.LBB2_11:
0x72: {  	_ =	sfence.sel $0x180000  }
0x73: {  	[bflag:$0x0] =	sbarrier.arrive $0xFFFF  }
0x74: {  	p0 =	sne.s32 s0, $0x0;
	_ =	strace $0x90000047  }
0x75: {  	s0 =	sadd.s32 @!p0 $0x100000, s1;
	[bflag:$0x2] =	sbarrier.arrive $0xFFFF  }
0x76: {  	[sflag:s0] =	ssyncadd.tile.s32 @!p0 $0x1;
	_ =	shalt  }
.Lfunc_end2:
_tile_overlayer_lowered:
.L_overlay_start_2:
0x77: {  	(tag) =	ssettag $0x2  }
0x78: {  	s0 =	rddreg [dreg:$0x0];
	s2 =	stileid.u32  }
0x79: {  	s1 =	rddreg [dreg:$0x1];
	p0 =	sne.s32 s2, $0x0  }
0x7a: {  	s3 =	rddreg [dreg:$0x2];
	[bflag:$0x3] =	sbarrier.arrive $0xFFFF;
	s2 =	simm.s32 @!p0 $0x1C01  }
0x7b: {  	[timem:s3], [sflag:s2] =	dma.local @!p0 [hbm:s0], s1  }
0x7c: {  	s0 =	simm.s32 @!p0 $0x1  }
0x7d: {  	_ =	swait.ge @!p0 [sflag:s0], s1  }
0x7e: {  	s1 =	ssub.s32 @!p0 $0x0, s1;
	[sflag:s0] =	ssyncset.done @!p0 $0x0  }
0x7f: {  	[sflag:s0] =	ssyncadd.s32 @!p0 s1  }
0x80: {  	[bflag:$0x3] =	sbarrier.arrive $0xFFFF  }
0x81: {  	_ =	shalt  }

</sc_bundles>
